<compile_context>
chip_gen: v7x
topology: tpu7x:2x2x1
jax: 0.10.2.dev20260603
libtpu: 0.0.44.dev20260713+nightly
codegen_flags: <defaults>
</compile_context>

<pallas_src>
import functools

import jax
import jax.numpy as jnp
from jax import lax
from jax.experimental import pallas as pl
from jax.experimental.pallas import tpu as pltpu
from jax.experimental.pallas import tpu_sc as plsc

BATCH = 16384
DIM = 64
NCLASS = 100000
LANES = 16
NW = 32
ROWS_PER_W = DIM // NW
FCHUNK = 8192
NFCH = BATCH // FCHUNK
GRP = 8


def _sc_loss_body(centers_hbm, featT_hbm, idx_hbm, out_hbm,
                  row_v, idx_v, feat_v, acc_v, sem_r, sem_f):
    wid = lax.axis_index("s") * 2 + lax.axis_index("c")

    zeros = jnp.zeros((LANES,), jnp.float32)

    def row_body(r, accs):
        d = wid * ROWS_PER_W + r
        cp = pltpu.async_copy(centers_hbm.at[d], row_v, sem_r)

        @pl.when(r == 0)
        def _():
            pltpu.sync_copy(idx_hbm, idx_v)

        cp_f = pltpu.async_copy(featT_hbm.at[d, pl.ds(0, FCHUNK)], feat_v,
                                sem_f)
        cp_f.wait()
        cp.wait()

        def chunk_body(c, accs2):
            base = c * FCHUNK

            @plsc.parallel_loop(0, FCHUNK // (LANES * GRP), unroll=2,
                                carry=accs2)
            def accs3(g, acc_t):
                a = list(acc_t)
                for t in range(GRP):
                    off = (g * GRP + t) * LANES
                    iv = idx_v[pl.ds(base + off, LANES)]
                    fv = feat_v[pl.ds(off, LANES)]
                    gv = plsc.load_gather(row_v, [iv])
                    dv = fv - gv
                    a[t] = a[t] + dv * dv
                return tuple(a)

            @pl.when(c + 1 < NFCH)
            def _():
                pltpu.sync_copy(
                    featT_hbm.at[d, pl.ds((c + 1) * FCHUNK, FCHUNK)], feat_v)

            return accs3

        return lax.fori_loop(0, NFCH, chunk_body, accs)

    accs = lax.fori_loop(0, ROWS_PER_W, row_body, (zeros,) * GRP)
    total = accs[0]
    for t in range(1, GRP):
        total = total + accs[t]
    acc_v[...] = total
    pltpu.sync_copy(acc_v, out_hbm.at[pl.ds(wid * LANES, LANES)])


_sc_loss = functools.partial(
    pl.kernel,
    out_type=jax.ShapeDtypeStruct((NW * LANES,), jnp.float32),
    mesh=plsc.VectorSubcoreMesh(core_axis_name="c", subcore_axis_name="s"),
    compiler_params=pltpu.CompilerParams(needs_layout_passes=False),
    scratch_types=[
        pltpu.VMEM((NCLASS,), jnp.float32),
        pltpu.VMEM((BATCH,), jnp.int32),
        pltpu.VMEM((FCHUNK,), jnp.float32),
        pltpu.VMEM((LANES,), jnp.float32),
        pltpu.SemaphoreType.DMA,
        pltpu.SemaphoreType.DMA,
    ],
)(_sc_loss_body)


def kernel(feat, centers, index):
    idx = index.astype(jnp.int32)
    partials = _sc_loss(centers, feat.T, idx)
    return jnp.sum(partials) * (1.0 / BATCH)

# --- scband reference (transcript-rebuilt; emitter-appended) ---
"""Pipeline reference for scband-anchor1-52922587021731 (READ-ONLY COPY).

The authoritative reference and input builder live on the scoring server;
editing this copy changes nothing except your own understanding.
"""

import jax, jax.numpy as jnp
import numpy as np

INTRA_LOSS = 1.0  # stands in for undefined global params.intra_loss in the original code


def setup_inputs(seed: int = 0) -> dict:
    key = jax.random.key(seed)
    k1, k2, k3 = jax.random.split(key, 3)
    batch, dim, nclass = 16384, 64, 100000
    feat = jax.random.normal(k1, (batch, dim), dtype=jnp.float32)
    centers = jax.random.normal(k2, (dim, nclass), dtype=jnp.float32)
    index = jax.random.randint(k3, (batch,), 0, nclass, dtype=jnp.int64)
    return {"feat": feat, "centers": centers, "index": index}


def reference(feat, centers, index):
    # Original loops over the batch doing centers[:, c_id].view(1, -1) and cat;
    # equivalent vectorized gather: take columns of centers by index -> [batch, dim]
    new_centers = jnp.take(centers, index, axis=1).T  # [batch, dim]
    inter_loss = jnp.mean(jnp.sum((feat - new_centers) ** 2, axis=1))
    return INTRA_LOSS * inter_loss

if __name__ == "__main__":
    import jax
    _d = setup_inputs()
    print(jax.jit(kernel)(*tuple(_d.values())))

</pallas_src>

<mosaic_0001>
#map = affine_map<(d0, d1) -> (0, 0)>
#map1 = affine_map<(d0, d1) -> (0)>
module attributes {stable_mosaic.version = 14 : i64} {
  func.func @_sc_loss_body(%arg0: i32, %arg1: i32, %arg2: memref<64x100000xf32, #tpu.memory_space<hbm>>, %arg3: memref<64x16384xf32, #tpu.memory_space<hbm>>, %arg4: memref<16384xi32, #tpu.memory_space<hbm>>, %arg5: memref<512xf32, #tpu.memory_space<hbm>>, %arg6: memref<100000xf32, #tpu.memory_space<vmem>>, %arg7: memref<16384xi32, #tpu.memory_space<vmem>>, %arg8: memref<8192xf32, #tpu.memory_space<vmem>>, %arg9: memref<16xf32, #tpu.memory_space<vmem>>, %arg10: memref<!tpu.dma_semaphore, #tpu.memory_space<semaphore_mem>>, %arg11: memref<!tpu.dma_semaphore, #tpu.memory_space<semaphore_mem>>) attributes {dimension_semantics = [#tpu.dimension_semantics<core_parallel>, #tpu.dimension_semantics<subcore_parallel>], iteration_bounds = array<i64: 2, 16>, scalar_prefetch = 0 : i64, scratch_operands = 6 : i64, tpu.core_type = #tpu.core_type<sc_vector_subcore>, window_params = [{transform_indices = #map}, {transform_indices = #map}, {transform_indices = #map1}, {transform_indices = #map1}]} {
    %mul3A = arith.constant 2 : i32
    %mul3A_0 = arith.muli %arg1, %mul3A : i32
    %add3A = arith.addi %mul3A_0, %arg0 : i32
    %broadcast_in_dim3A = arith.constant 0.000000e+00 : f32
    %broadcast_in_dim3A_1 = vector.broadcast %broadcast_in_dim3A : f32 to vector<16xf32>
    %scan3A = arith.constant 0 : i32
    %scan3A_2 = arith.constant 2 : i32
    %scan3A_3 = arith.addi %scan3A, %scan3A_2 : i32
    %scan3A_4 = arith.constant 1 : i32
    %scan3A_5:8 = scf.for %scan3A_17 = %scan3A to %scan3A_3 step %scan3A_4 iter_args(%scan3A_18 = %broadcast_in_dim3A_1, %scan3A_19 = %broadcast_in_dim3A_1, %scan3A_20 = %broadcast_in_dim3A_1, %scan3A_21 = %broadcast_in_dim3A_1, %scan3A_22 = %broadcast_in_dim3A_1, %scan3A_23 = %broadcast_in_dim3A_1, %scan3A_24 = %broadcast_in_dim3A_1, %scan3A_25 = %broadcast_in_dim3A_1) -> (vector<16xf32>, vector<16xf32>, vector<16xf32>, vector<16xf32>, vector<16xf32>, vector<16xf32>, vector<16xf32>, vector<16xf32>)  : i32 {
      %mul3A_26 = arith.constant 2 : i32
      %mul3A_27 = arith.muli %add3A, %mul3A_26 : i32
      %add3A_28 = arith.addi %mul3A_27, %scan3A_17 : i32
      %dma_start3A = arith.constant 0 : i32
      %dma_start3A_29 = tpu.memref_slice %arg2[%add3A_28, %dma_start3A] : memref<64x100000xf32, #tpu.memory_space<hbm>> -> memref<1x100000xf32, #tpu.memory_space<hbm>>
      %dma_start3A_30 = tpu.memref_squeeze %dma_start3A_29 : memref<1x100000xf32, #tpu.memory_space<hbm>> -> memref<100000xf32, #tpu.memory_space<hbm>>
      %dma_start3A_31 = arith.constant 0 : i32
      %dma_start3A_32 = tpu.memref_slice %arg2[%add3A_28, %dma_start3A_31] : memref<64x100000xf32, #tpu.memory_space<hbm>> -> memref<1x100000xf32, #tpu.memory_space<hbm>>
      %dma_start3A_33 = tpu.memref_squeeze %dma_start3A_32 : memref<1x100000xf32, #tpu.memory_space<hbm>> -> memref<100000xf32, #tpu.memory_space<hbm>>
      tpu.enqueue_dma source(%dma_start3A_33 : memref<100000xf32, #tpu.memory_space<hbm>>) target(%arg6 : memref<100000xf32, #tpu.memory_space<vmem>>) target_semaphore(%arg10 : memref<!tpu.dma_semaphore, #tpu.memory_space<semaphore_mem>>)
      %eq3A = arith.constant 0 : i32
      %eq3A_34 = arith.cmpi eq, %scan3A_17, %eq3A : i32
      %convert_element_type3A = arith.extui %eq3A_34 : i1 to i32
      %cond3A = arith.constant 0 : i32
      %cond3A_35 = arith.cmpi ne, %convert_element_type3A, %cond3A : i32
      scf.if %cond3A_35 {
        "tpu.region"() ({
          %run_scoped3A = tpu.sem_alloc : memref<!tpu.dma_semaphore, #tpu.memory_space<semaphore_mem>>
          tpu.enqueue_dma source(%arg4 : memref<16384xi32, #tpu.memory_space<hbm>>) target(%arg7 : memref<16384xi32, #tpu.memory_space<vmem>>) target_semaphore(%run_scoped3A : memref<!tpu.dma_semaphore, #tpu.memory_space<semaphore_mem>>)
          tpu.wait_dma2 semaphore(%run_scoped3A : memref<!tpu.dma_semaphore, #tpu.memory_space<semaphore_mem>>) src(%arg4 : memref<16384xi32, #tpu.memory_space<hbm>>) dst(%arg7 : memref<16384xi32, #tpu.memory_space<vmem>>)
          tpu.yield
        }) : () -> ()
      } else {
      }
      %dma_start3A_36 = arith.constant 0 : i32
      %dma_start3A_37 = tpu.memref_slice %arg3[%add3A_28, %dma_start3A_36] : memref<64x16384xf32, #tpu.memory_space<hbm>> -> memref<1x8192xf32, #tpu.memory_space<hbm>>
      %dma_start3A_38 = tpu.memref_squeeze %dma_start3A_37 : memref<1x8192xf32, #tpu.memory_space<hbm>> -> memref<8192xf32, #tpu.memory_space<hbm>>
      %dma_start3A_39 = arith.constant 0 : i32
      %dma_start3A_40 = tpu.memref_slice %arg3[%add3A_28, %dma_start3A_39] : memref<64x16384xf32, #tpu.memory_space<hbm>> -> memref<1x8192xf32, #tpu.memory_space<hbm>>
      %dma_start3A_41 = tpu.memref_squeeze %dma_start3A_40 : memref<1x8192xf32, #tpu.memory_space<hbm>> -> memref<8192xf32, #tpu.memory_space<hbm>>
      tpu.enqueue_dma source(%dma_start3A_41 : memref<8192xf32, #tpu.memory_space<hbm>>) target(%arg8 : memref<8192xf32, #tpu.memory_space<vmem>>) target_semaphore(%arg11 : memref<!tpu.dma_semaphore, #tpu.memory_space<semaphore_mem>>)
      %dma_wait3A = arith.constant 0 : i32
      %dma_wait3A_42 = tpu.memref_slice %arg3[%add3A_28, %dma_wait3A] : memref<64x16384xf32, #tpu.memory_space<hbm>> -> memref<1x8192xf32, #tpu.memory_space<hbm>>
      %dma_wait3A_43 = tpu.memref_squeeze %dma_wait3A_42 : memref<1x8192xf32, #tpu.memory_space<hbm>> -> memref<8192xf32, #tpu.memory_space<hbm>>
      %dma_wait3A_44 = arith.constant 0 : i32
      %dma_wait3A_45 = tpu.memref_slice %arg3[%add3A_28, %dma_wait3A_44] : memref<64x16384xf32, #tpu.memory_space<hbm>> -> memref<1x8192xf32, #tpu.memory_space<hbm>>
      %dma_wait3A_46 = tpu.memref_squeeze %dma_wait3A_45 : memref<1x8192xf32, #tpu.memory_space<hbm>> -> memref<8192xf32, #tpu.memory_space<hbm>>
      tpu.wait_dma2 semaphore(%arg11 : memref<!tpu.dma_semaphore, #tpu.memory_space<semaphore_mem>>) src(%dma_wait3A_46 : memref<8192xf32, #tpu.memory_space<hbm>>) dst(%arg8 : memref<8192xf32, #tpu.memory_space<vmem>>)
      %dma_wait3A_47 = arith.constant 0 : i32
      %dma_wait3A_48 = tpu.memref_slice %arg2[%add3A_28, %dma_wait3A_47] : memref<64x100000xf32, #tpu.memory_space<hbm>> -> memref<1x100000xf32, #tpu.memory_space<hbm>>
      %dma_wait3A_49 = tpu.memref_squeeze %dma_wait3A_48 : memref<1x100000xf32, #tpu.memory_space<hbm>> -> memref<100000xf32, #tpu.memory_space<hbm>>
      %dma_wait3A_50 = arith.constant 0 : i32
      %dma_wait3A_51 = tpu.memref_slice %arg2[%add3A_28, %dma_wait3A_50] : memref<64x100000xf32, #tpu.memory_space<hbm>> -> memref<1x100000xf32, #tpu.memory_space<hbm>>
      %dma_wait3A_52 = tpu.memref_squeeze %dma_wait3A_51 : memref<1x100000xf32, #tpu.memory_space<hbm>> -> memref<100000xf32, #tpu.memory_space<hbm>>
      tpu.wait_dma2 semaphore(%arg10 : memref<!tpu.dma_semaphore, #tpu.memory_space<semaphore_mem>>) src(%dma_wait3A_52 : memref<100000xf32, #tpu.memory_space<hbm>>) dst(%arg6 : memref<100000xf32, #tpu.memory_space<vmem>>)
      %scan3A_53 = arith.constant 0 : i32
      %scan3A_54 = arith.constant 2 : i32
      %scan3A_55 = arith.addi %scan3A_53, %scan3A_54 : i32
      %scan3A_56 = arith.constant 1 : i32
      %scan3A_57:8 = scf.for %scan3A_59 = %scan3A_53 to %scan3A_55 step %scan3A_56 iter_args(%scan3A_60 = %scan3A_18, %scan3A_61 = %scan3A_19, %scan3A_62 = %scan3A_20, %scan3A_63 = %scan3A_21, %scan3A_64 = %scan3A_22, %scan3A_65 = %scan3A_23, %scan3A_66 = %scan3A_24, %scan3A_67 = %scan3A_25) -> (vector<16xf32>, vector<16xf32>, vector<16xf32>, vector<16xf32>, vector<16xf32>, vector<16xf32>, vector<16xf32>, vector<16xf32>)  : i32 {
        %mul3A_68 = arith.constant 8192 : i32
        %mul3A_69 = arith.muli %scan3A_59, %mul3A_68 : i32
        %parallel_loop3A = arith.constant 0 : i32
        %parallel_loop3A_70 = arith.constant 64 : i32
        %parallel_loop3A_71 = arith.constant 1 : i32
        %parallel_loop3A_72:8 = scf.for %parallel_loop3A_79 = %parallel_loop3A to %parallel_loop3A_70 step %parallel_loop3A_71 iter_args(%parallel_loop3A_80 = %scan3A_60, %parallel_loop3A_81 = %scan3A_61, %parallel_loop3A_82 = %scan3A_62, %parallel_loop3A_83 = %scan3A_63, %parallel_loop3A_84 = %scan3A_64, %parallel_loop3A_85 = %scan3A_65, %parallel_loop3A_86 = %scan3A_66, %parallel_loop3A_87 = %scan3A_67) -> (vector<16xf32>, vector<16xf32>, vector<16xf32>, vector<16xf32>, vector<16xf32>, vector<16xf32>, vector<16xf32>, vector<16xf32>)  : i32 {
          %parallel_loop3A_88 = arith.constant 8 : i32
          %parallel_loop3A_89 = arith.muli %parallel_loop3A_79, %parallel_loop3A_88 : i32
          %parallel_loop3A_90 = arith.constant 0 : i32
          %parallel_loop3A_91 = arith.addi %parallel_loop3A_89, %parallel_loop3A_90 : i32
          %parallel_loop3A_92 = arith.constant 16 : i32
          %parallel_loop3A_93 = arith.muli %parallel_loop3A_91, %parallel_loop3A_92 : i32
          %parallel_loop3A_94 = arith.addi %mul3A_69, %parallel_loop3A_93 : i32
          %parallel_loop3A_95 = arith.index_cast %parallel_loop3A_94 : i32 to index
          %parallel_loop3A_96 = tpu.vector_load %arg7[%parallel_loop3A_95] {strides = array<i32>} : memref<16384xi32, #tpu.memory_space<vmem>>, vector<16xi32>,
          %parallel_loop3A_97 = arith.index_cast %parallel_loop3A_93 : i32 to index
          %parallel_loop3A_98 = tpu.vector_load %arg8[%parallel_loop3A_97] {strides = array<i32>} : memref<8192xf32, #tpu.memory_space<vmem>>, vector<16xf32>,
          %parallel_loop3A_99 = tpu.vector_load_idx %arg6[%parallel_loop3A_96] : memref<100000xf32, #tpu.memory_space<vmem>>[vector<16xi32>], vector<16xf32>,
          %parallel_loop3A_100 = arith.subf %parallel_loop3A_98, %parallel_loop3A_99 : vector<16xf32>
          %parallel_loop3A_101 = arith.mulf %parallel_loop3A_100, %parallel_loop3A_100 : vector<16xf32>
          %parallel_loop3A_102 = arith.addf %parallel_loop3A_80, %parallel_loop3A_101 : vector<16xf32>
          %parallel_loop3A_103 = arith.constant 8 : i32
          %parallel_loop3A_104 = arith.muli %parallel_loop3A_79, %parallel_loop3A_103 : i32
          %parallel_loop3A_105 = arith.constant 1 : i32
          %parallel_loop3A_106 = arith.addi %parallel_loop3A_104, %parallel_loop3A_105 : i32
          %parallel_loop3A_107 = arith.constant 16 : i32
          %parallel_loop3A_108 = arith.muli %parallel_loop3A_106, %parallel_loop3A_107 : i32
          %parallel_loop3A_109 = arith.addi %mul3A_69, %parallel_loop3A_108 : i32
          %parallel_loop3A_110 = arith.index_cast %parallel_loop3A_109 : i32 to index
          %parallel_loop3A_111 = tpu.vector_load %arg7[%parallel_loop3A_110] {strides = array<i32>} : memref<16384xi32, #tpu.memory_space<vmem>>, vector<16xi32>,
          %parallel_loop3A_112 = arith.index_cast %parallel_loop3A_108 : i32 to index
          %parallel_loop3A_113 = tpu.vector_load %arg8[%parallel_loop3A_112] {strides = array<i32>} : memref<8192xf32, #tpu.memory_space<vmem>>, vector<16xf32>,
          %parallel_loop3A_114 = tpu.vector_load_idx %arg6[%parallel_loop3A_111] : memref<100000xf32, #tpu.memory_space<vmem>>[vector<16xi32>], vector<16xf32>,
          %parallel_loop3A_115 = arith.subf %parallel_loop3A_113, %parallel_loop3A_114 : vector<16xf32>
          %parallel_loop3A_116 = arith.mulf %parallel_loop3A_115, %parallel_loop3A_115 : vector<16xf32>
          %parallel_loop3A_117 = arith.addf %parallel_loop3A_81, %parallel_loop3A_116 : vector<16xf32>
          %parallel_loop3A_118 = arith.constant 8 : i32
          %parallel_loop3A_119 = arith.muli %parallel_loop3A_79, %parallel_loop3A_118 : i32
          %parallel_loop3A_120 = arith.constant 2 : i32
          %parallel_loop3A_121 = arith.addi %parallel_loop3A_119, %parallel_loop3A_120 : i32
          %parallel_loop3A_122 = arith.constant 16 : i32
          %parallel_loop3A_123 = arith.muli %parallel_loop3A_121, %parallel_loop3A_122 : i32
          %parallel_loop3A_124 = arith.addi %mul3A_69, %parallel_loop3A_123 : i32
          %parallel_loop3A_125 = arith.index_cast %parallel_loop3A_124 : i32 to index
          %parallel_loop3A_126 = tpu.vector_load %arg7[%parallel_loop3A_125] {strides = array<i32>} : memref<16384xi32, #tpu.memory_space<vmem>>, vector<16xi32>,
          %parallel_loop3A_127 = arith.index_cast %parallel_loop3A_123 : i32 to index
          %parallel_loop3A_128 = tpu.vector_load %arg8[%parallel_loop3A_127] {strides = array<i32>} : memref<8192xf32, #tpu.memory_space<vmem>>, vector<16xf32>,
          %parallel_loop3A_129 = tpu.vector_load_idx %arg6[%parallel_loop3A_126] : memref<100000xf32, #tpu.memory_space<vmem>>[vector<16xi32>], vector<16xf32>,
          %parallel_loop3A_130 = arith.subf %parallel_loop3A_128, %parallel_loop3A_129 : vector<16xf32>
          %parallel_loop3A_131 = arith.mulf %parallel_loop3A_130, %parallel_loop3A_130 : vector<16xf32>
          %parallel_loop3A_132 = arith.addf %parallel_loop3A_82, %parallel_loop3A_131 : vector<16xf32>
          %parallel_loop3A_133 = arith.constant 8 : i32
          %parallel_loop3A_134 = arith.muli %parallel_loop3A_79, %parallel_loop3A_133 : i32
          %parallel_loop3A_135 = arith.constant 3 : i32
          %parallel_loop3A_136 = arith.addi %parallel_loop3A_134, %parallel_loop3A_135 : i32
          %parallel_loop3A_137 = arith.constant 16 : i32
          %parallel_loop3A_138 = arith.muli %parallel_loop3A_136, %parallel_loop3A_137 : i32
          %parallel_loop3A_139 = arith.addi %mul3A_69, %parallel_loop3A_138 : i32
          %parallel_loop3A_140 = arith.index_cast %parallel_loop3A_139 : i32 to index
          %parallel_loop3A_141 = tpu.vector_load %arg7[%parallel_loop3A_140] {strides = array<i32>} : memref<16384xi32, #tpu.memory_space<vmem>>, vector<16xi32>,
          %parallel_loop3A_142 = arith.index_cast %parallel_loop3A_138 : i32 to index
          %parallel_loop3A_143 = tpu.vector_load %arg8[%parallel_loop3A_142] {strides = array<i32>} : memref<8192xf32, #tpu.memory_space<vmem>>, vector<16xf32>,
          %parallel_loop3A_144 = tpu.vector_load_idx %arg6[%parallel_loop3A_141] : memref<100000xf32, #tpu.memory_space<vmem>>[vector<16xi32>], vector<16xf32>,
          %parallel_loop3A_145 = arith.subf %parallel_loop3A_143, %parallel_loop3A_144 : vector<16xf32>
          %parallel_loop3A_146 = arith.mulf %parallel_loop3A_145, %parallel_loop3A_145 : vector<16xf32>
          %parallel_loop3A_147 = arith.addf %parallel_loop3A_83, %parallel_loop3A_146 : vector<16xf32>
          %parallel_loop3A_148 = arith.constant 8 : i32
          %parallel_loop3A_149 = arith.muli %parallel_loop3A_79, %parallel_loop3A_148 : i32
          %parallel_loop3A_150 = arith.constant 4 : i32
          %parallel_loop3A_151 = arith.addi %parallel_loop3A_149, %parallel_loop3A_150 : i32
          %parallel_loop3A_152 = arith.constant 16 : i32
          %parallel_loop3A_153 = arith.muli %parallel_loop3A_151, %parallel_loop3A_152 : i32
          %parallel_loop3A_154 = arith.addi %mul3A_69, %parallel_loop3A_153 : i32
          %parallel_loop3A_155 = arith.index_cast %parallel_loop3A_154 : i32 to index
          %parallel_loop3A_156 = tpu.vector_load %arg7[%parallel_loop3A_155] {strides = array<i32>} : memref<16384xi32, #tpu.memory_space<vmem>>, vector<16xi32>,
          %parallel_loop3A_157 = arith.index_cast %parallel_loop3A_153 : i32 to index
          %parallel_loop3A_158 = tpu.vector_load %arg8[%parallel_loop3A_157] {strides = array<i32>} : memref<8192xf32, #tpu.memory_space<vmem>>, vector<16xf32>,
          %parallel_loop3A_159 = tpu.vector_load_idx %arg6[%parallel_loop3A_156] : memref<100000xf32, #tpu.memory_space<vmem>>[vector<16xi32>], vector<16xf32>,
          %parallel_loop3A_160 = arith.subf %parallel_loop3A_158, %parallel_loop3A_159 : vector<16xf32>
          %parallel_loop3A_161 = arith.mulf %parallel_loop3A_160, %parallel_loop3A_160 : vector<16xf32>
          %parallel_loop3A_162 = arith.addf %parallel_loop3A_84, %parallel_loop3A_161 : vector<16xf32>
          %parallel_loop3A_163 = arith.constant 8 : i32
          %parallel_loop3A_164 = arith.muli %parallel_loop3A_79, %parallel_loop3A_163 : i32
          %parallel_loop3A_165 = arith.constant 5 : i32
          %parallel_loop3A_166 = arith.addi %parallel_loop3A_164, %parallel_loop3A_165 : i32
          %parallel_loop3A_167 = arith.constant 16 : i32
          %parallel_loop3A_168 = arith.muli %parallel_loop3A_166, %parallel_loop3A_167 : i32
          %parallel_loop3A_169 = arith.addi %mul3A_69, %parallel_loop3A_168 : i32
          %parallel_loop3A_170 = arith.index_cast %parallel_loop3A_169 : i32 to index
          %parallel_loop3A_171 = tpu.vector_load %arg7[%parallel_loop3A_170] {strides = array<i32>} : memref<16384xi32, #tpu.memory_space<vmem>>, vector<16xi32>,
          %parallel_loop3A_172 = arith.index_cast %parallel_loop3A_168 : i32 to index
          %parallel_loop3A_173 = tpu.vector_load %arg8[%parallel_loop3A_172] {strides = array<i32>} : memref<8192xf32, #tpu.memory_space<vmem>>, vector<16xf32>,
          %parallel_loop3A_174 = tpu.vector_load_idx %arg6[%parallel_loop3A_171] : memref<100000xf32, #tpu.memory_space<vmem>>[vector<16xi32>], vector<16xf32>,
          %parallel_loop3A_175 = arith.subf %parallel_loop3A_173, %parallel_loop3A_174 : vector<16xf32>
          %parallel_loop3A_176 = arith.mulf %parallel_loop3A_175, %parallel_loop3A_175 : vector<16xf32>
          %parallel_loop3A_177 = arith.addf %parallel_loop3A_85, %parallel_loop3A_176 : vector<16xf32>
          %parallel_loop3A_178 = arith.constant 8 : i32
          %parallel_loop3A_179 = arith.muli %parallel_loop3A_79, %parallel_loop3A_178 : i32
          %parallel_loop3A_180 = arith.constant 6 : i32
          %parallel_loop3A_181 = arith.addi %parallel_loop3A_179, %parallel_loop3A_180 : i32
          %parallel_loop3A_182 = arith.constant 16 : i32
          %parallel_loop3A_183 = arith.muli %parallel_loop3A_181, %parallel_loop3A_182 : i32
          %parallel_loop3A_184 = arith.addi %mul3A_69, %parallel_loop3A_183 : i32
          %parallel_loop3A_185 = arith.index_cast %parallel_loop3A_184 : i32 to index
          %parallel_loop3A_186 = tpu.vector_load %arg7[%parallel_loop3A_185] {strides = array<i32>} : memref<16384xi32, #tpu.memory_space<vmem>>, vector<16xi32>,
          %parallel_loop3A_187 = arith.index_cast %parallel_loop3A_183 : i32 to index
          %parallel_loop3A_188 = tpu.vector_load %arg8[%parallel_loop3A_187] {strides = array<i32>} : memref<8192xf32, #tpu.memory_space<vmem>>, vector<16xf32>,
          %parallel_loop3A_189 = tpu.vector_load_idx %arg6[%parallel_loop3A_186] : memref<100000xf32, #tpu.memory_space<vmem>>[vector<16xi32>], vector<16xf32>,
          %parallel_loop3A_190 = arith.subf %parallel_loop3A_188, %parallel_loop3A_189 : vector<16xf32>
          %parallel_loop3A_191 = arith.mulf %parallel_loop3A_190, %parallel_loop3A_190 : vector<16xf32>
          %parallel_loop3A_192 = arith.addf %parallel_loop3A_86, %parallel_loop3A_191 : vector<16xf32>
          %parallel_loop3A_193 = arith.constant 8 : i32
          %parallel_loop3A_194 = arith.muli %parallel_loop3A_79, %parallel_loop3A_193 : i32
          %parallel_loop3A_195 = arith.constant 7 : i32
          %parallel_loop3A_196 = arith.addi %parallel_loop3A_194, %parallel_loop3A_195 : i32
          %parallel_loop3A_197 = arith.constant 16 : i32
          %parallel_loop3A_198 = arith.muli %parallel_loop3A_196, %parallel_loop3A_197 : i32
          %parallel_loop3A_199 = arith.addi %mul3A_69, %parallel_loop3A_198 : i32
          %parallel_loop3A_200 = arith.index_cast %parallel_loop3A_199 : i32 to index
          %parallel_loop3A_201 = tpu.vector_load %arg7[%parallel_loop3A_200] {strides = array<i32>} : memref<16384xi32, #tpu.memory_space<vmem>>, vector<16xi32>,
          %parallel_loop3A_202 = arith.index_cast %parallel_loop3A_198 : i32 to index
          %parallel_loop3A_203 = tpu.vector_load %arg8[%parallel_loop3A_202] {strides = array<i32>} : memref<8192xf32, #tpu.memory_space<vmem>>, vector<16xf32>,
          %parallel_loop3A_204 = tpu.vector_load_idx %arg6[%parallel_loop3A_201] : memref<100000xf32, #tpu.memory_space<vmem>>[vector<16xi32>], vector<16xf32>,
          %parallel_loop3A_205 = arith.subf %parallel_loop3A_203, %parallel_loop3A_204 : vector<16xf32>
          %parallel_loop3A_206 = arith.mulf %parallel_loop3A_205, %parallel_loop3A_205 : vector<16xf32>
          %parallel_loop3A_207 = arith.addf %parallel_loop3A_87, %parallel_loop3A_206 : vector<16xf32>
          scf.yield %parallel_loop3A_102, %parallel_loop3A_117, %parallel_loop3A_132, %parallel_loop3A_147, %parallel_loop3A_162, %parallel_loop3A_177, %parallel_loop3A_192, %parallel_loop3A_207 : vector<16xf32>, vector<16xf32>, vector<16xf32>, vector<16xf32>, vector<16xf32>, vector<16xf32>, vector<16xf32>, vector<16xf32>
        } {sc.loop_unroll_factor = 2 : i64, sc.parallel_access}
        %add3A_73 = arith.constant 1 : i32
        %add3A_74 = arith.addi %scan3A_59, %add3A_73 : i32
        %lt3A = arith.constant 2 : i32
        %lt3A_75 = arith.cmpi slt, %add3A_74, %lt3A : i32
        %convert_element_type3A_76 = arith.extui %lt3A_75 : i1 to i32
        %cond3A_77 = arith.constant 0 : i32
        %cond3A_78 = arith.cmpi ne, %convert_element_type3A_76, %cond3A_77 : i32
        scf.if %cond3A_78 {
          %add3A_79 = arith.constant 1 : i32
          %add3A_80 = arith.addi %scan3A_59, %add3A_79 : i32
          %mul3A_81 = arith.constant 8192 : i32
          %mul3A_82 = arith.muli %add3A_80, %mul3A_81 : i32
          "tpu.region"() ({
            %run_scoped3A = tpu.sem_alloc : memref<!tpu.dma_semaphore, #tpu.memory_space<semaphore_mem>>
            %dma_start3A_83 = tpu.memref_slice %arg3[%add3A_28, %mul3A_82] : memref<64x16384xf32, #tpu.memory_space<hbm>> -> memref<1x8192xf32, #tpu.memory_space<hbm>>
            %dma_start3A_84 = tpu.memref_squeeze %dma_start3A_83 : memref<1x8192xf32, #tpu.memory_space<hbm>> -> memref<8192xf32, #tpu.memory_space<hbm>>
            %dma_start3A_85 = tpu.memref_slice %arg3[%add3A_28, %mul3A_82] : memref<64x16384xf32, #tpu.memory_space<hbm>> -> memref<1x8192xf32, #tpu.memory_space<hbm>>
            %dma_start3A_86 = tpu.memref_squeeze %dma_start3A_85 : memref<1x8192xf32, #tpu.memory_space<hbm>> -> memref<8192xf32, #tpu.memory_space<hbm>>
            tpu.enqueue_dma source(%dma_start3A_86 : memref<8192xf32, #tpu.memory_space<hbm>>) target(%arg8 : memref<8192xf32, #tpu.memory_space<vmem>>) target_semaphore(%run_scoped3A : memref<!tpu.dma_semaphore, #tpu.memory_space<semaphore_mem>>)
            %dma_wait3A_87 = tpu.memref_slice %arg3[%add3A_28, %mul3A_82] : memref<64x16384xf32, #tpu.memory_space<hbm>> -> memref<1x8192xf32, #tpu.memory_space<hbm>>
            %dma_wait3A_88 = tpu.memref_squeeze %dma_wait3A_87 : memref<1x8192xf32, #tpu.memory_space<hbm>> -> memref<8192xf32, #tpu.memory_space<hbm>>
            %dma_wait3A_89 = tpu.memref_slice %arg3[%add3A_28, %mul3A_82] : memref<64x16384xf32, #tpu.memory_space<hbm>> -> memref<1x8192xf32, #tpu.memory_space<hbm>>
            %dma_wait3A_90 = tpu.memref_squeeze %dma_wait3A_89 : memref<1x8192xf32, #tpu.memory_space<hbm>> -> memref<8192xf32, #tpu.memory_space<hbm>>
            tpu.wait_dma2 semaphore(%run_scoped3A : memref<!tpu.dma_semaphore, #tpu.memory_space<semaphore_mem>>) src(%dma_wait3A_90 : memref<8192xf32, #tpu.memory_space<hbm>>) dst(%arg8 : memref<8192xf32, #tpu.memory_space<vmem>>)
            tpu.yield
          }) : () -> ()
        } else {
        }
        scf.yield %parallel_loop3A_72#0, %parallel_loop3A_72#1, %parallel_loop3A_72#2, %parallel_loop3A_72#3, %parallel_loop3A_72#4, %parallel_loop3A_72#5, %parallel_loop3A_72#6, %parallel_loop3A_72#7 : vector<16xf32>, vector<16xf32>, vector<16xf32>, vector<16xf32>, vector<16xf32>, vector<16xf32>, vector<16xf32>, vector<16xf32>
      }
      %scan3A_58 = arith.constant 2 : i32
      scf.yield %scan3A_57#0, %scan3A_57#1, %scan3A_57#2, %scan3A_57#3, %scan3A_57#4, %scan3A_57#5, %scan3A_57#6, %scan3A_57#7 : vector<16xf32>, vector<16xf32>, vector<16xf32>, vector<16xf32>, vector<16xf32>, vector<16xf32>, vector<16xf32>, vector<16xf32>
    }
    %scan3A_6 = arith.constant 2 : i32
    %add3A_7 = arith.addf %scan3A_5#0, %scan3A_5#1 : vector<16xf32>
    %add3A_8 = arith.addf %add3A_7, %scan3A_5#2 : vector<16xf32>
    %add3A_9 = arith.addf %add3A_8, %scan3A_5#3 : vector<16xf32>
    %add3A_10 = arith.addf %add3A_9, %scan3A_5#4 : vector<16xf32>
    %add3A_11 = arith.addf %add3A_10, %scan3A_5#5 : vector<16xf32>
    %add3A_12 = arith.addf %add3A_11, %scan3A_5#6 : vector<16xf32>
    %add3A_13 = arith.addf %add3A_12, %scan3A_5#7 : vector<16xf32>
    %swap3A = arith.constant 0 : index
    %swap3A_14 = tpu.vector_load %arg9[%swap3A] {strides = array<i32>} : memref<16xf32, #tpu.memory_space<vmem>>, vector<16xf32>,
    tpu.vector_store %arg9[%swap3A], %add3A_13 {strides = array<i32>} : memref<16xf32, #tpu.memory_space<vmem>>, vector<16xf32>,
    %mul3A_15 = arith.constant 16 : i32
    %mul3A_16 = arith.muli %add3A, %mul3A_15 : i32
    "tpu.region"() ({
      %run_scoped3A = tpu.sem_alloc : memref<!tpu.dma_semaphore, #tpu.memory_space<semaphore_mem>>
      %dma_start3A = tpu.memref_slice %arg5[%mul3A_16] : memref<512xf32, #tpu.memory_space<hbm>> -> memref<16xf32, #tpu.memory_space<hbm>>
      %dma_start3A_17 = tpu.memref_slice %arg5[%mul3A_16] : memref<512xf32, #tpu.memory_space<hbm>> -> memref<16xf32, #tpu.memory_space<hbm>>
      tpu.enqueue_dma source(%arg9 : memref<16xf32, #tpu.memory_space<vmem>>) target(%dma_start3A_17 : memref<16xf32, #tpu.memory_space<hbm>>) target_semaphore(%run_scoped3A : memref<!tpu.dma_semaphore, #tpu.memory_space<semaphore_mem>>)
      %dma_wait3A = tpu.memref_slice %arg5[%mul3A_16] : memref<512xf32, #tpu.memory_space<hbm>> -> memref<16xf32, #tpu.memory_space<hbm>>
      %dma_wait3A_18 = tpu.memref_slice %arg5[%mul3A_16] : memref<512xf32, #tpu.memory_space<hbm>> -> memref<16xf32, #tpu.memory_space<hbm>>
      tpu.wait_dma2 semaphore(%run_scoped3A : memref<!tpu.dma_semaphore, #tpu.memory_space<semaphore_mem>>) src(%arg9 : memref<16xf32, #tpu.memory_space<vmem>>) dst(%dma_wait3A_18 : memref<16xf32, #tpu.memory_space<hbm>>)
      tpu.yield
    }) : () -> ()
    return
  }
}

</mosaic_0001>

<sc_bundles>
// kernel: kernel.3.cloned.1.call-start
scs
__scs_entry_jumppad:
0x0: {  	(pc) =	sbr.rel $0x88, $3  }
0x1: {  	(tag) =	ssettag $0x0;
	lr =	simm.s32 $0x1  }
0x2: {  	[smem:$0x3F9E] =	sst lr;
	_ =	strace $0xD0000000  }
0x3: {  	_ = 	snop  }
0x4: {  	_ = 	snop  }
0x5: {  	_ = 	snop  }
0x6: {  	_ = 	snop  }
0x7: {  	_ = 	snop  }
__scs_overlays_trampoline_lowered:
0x8: {  	[smem:$0x3FAD] =	sst s0  }
0x9: {  	[smem:$0x3FAE] =	sst s1  }
0xa: {  	[smem:$0x3FAF] =	sst s2  }
0xb: {  	[smem:$0x3FB0] =	sst s3  }
0xc: {  	[smem:$0x3FB1] =	sst s4  }
0xd: {  	[smem:$0x3FB2] =	sst s5  }
0xe: {  	[smem:$0x3FB3] =	sst s6  }
0xf: {  	[smem:$0x3FB4] =	sst s7  }
0x10: {  	[smem:$0x3FB5] =	sst s8  }
0x11: {  	[smem:$0x3FB6] =	sst s9;
	s0 =	simm.s32 @!p0 $0x0  }
0x12: {  	s1 =	sld [smem:$0x3F9C];
	s0 =	simm.s32 @p0 $0x1  }
0x13: {  	[smem:$0x3FB7] =	sst s0;
	s0 =	simm.s32 @!p1 $0x0  }
0x14: {  	s2 =	sld [smem:$0x3F9B];
	s0 =	simm.s32 @p1 $0x1  }
0x15: {  	[smem:$0x3FB8] =	sst s0;
	s0 =	simm.s32 @!p2 $0x0  }
0x16: {  	s3 =	sld [smem:$0x3FDB];
	s0 =	simm.s32 @p2 $0x1  }
0x17: {  	s4 =	simm.s32 $0x1BF5;
	[smem:$0x3FBA] =	sst s0  }
0x18: {  	s0 =	sld [smem:$0x3F9D];
	_ =	swait.ge [sflag:s4], $0x0  }
0x19: {  	s7 =	sld [smem:$0x3F9E]  }
0x1a: {  	s8 =	sadd.s32 $0xFFFFE003, lr  }
0x1b: {  	s9 =	sadd.s32 $0xFFFFFEF7, lr;
	s5 =	simm.s32 $0xFFFFFFFF;
	p2 =	slt.u32 s8, $0xFFFFF086  }
0x1c: {  	p1 =	slt.u32 s9, $0xF7A;
	s5 =	simm.s32 @!p2 $0x0  }
0x1d: {  	s5 =	simm.s32 @p1 $0x1;
	p0 =	seq.s32 s7, s2  }
0x1e: {  	s7 =	smul.u32 @!p0 $0xF7A, s2;
	p2 =	seq.s32 @!p0 s5, $0x0  }
0x1f: {  	s9 =	smul.u32 $0xF7A, s1;
	s8 =	simm.s32 @!p0 $0x1BF5;
	p2 =	por !p2, p0  }
0x20: {  	[sflag:s8] =	ssyncset.s32 @!p0 $0xFFFFF086;
	s6 =	sadd.s32 @!p0 s3, s7;
	s7 =	simm.s32 @!p0 $0x108  }
0x21: {  	s3 =	sadd.s32 s3, s9;
	s6 =	sadd.s32 @!p0 $0x88, s6;
	s7 =	simm.s32 @p2 $0x1082  }
0x22: {  	[simem:s7], [sflag:s8] =	dma.local @!p0 [hbm:s6], $0xF7A  }
0x23: {  	s9 =	sor.u32 $0xD0000000, s2;
	s6 =	simm.s32 $0x108;
	_ =	swait.ge @!p0 [sflag:s8], $0x0  }
0x24: {  	s3 =	sadd.s32 $0x88, s3;
	s6 =	simm.s32 @!p1 $0x1082;
	[sflag:s4] =	ssyncset.s32 $0xFFFFF086  }
0x25: {  	[simem:s6], [sflag:s4] =	dma.local [hbm:s3], $0xF7A  }
0x26: {  	[smem:$0x3F9E] =	sst s1;
	(tag) =	ssettag s2;
	_ =	strace s9  }
0x27: {  	s1 =	sld [smem:$0x3FAE]  }
0x28: {  	s2 =	sld [smem:$0x3FAF]  }
0x29: {  	s4 =	sld [smem:$0x3FB1]  }
0x2a: {  	p0 =	seq.s32 s5, $0x0;
	s5 =	sld [smem:$0x3FB2]  }
0x2b: {  	s6 =	sld [smem:$0x3FB3]  }
0x2c: {  	s7 =	sld [smem:$0x3FB4]  }
0x2d: {  	s3 =	simm.s32 $0x108;
	s8 =	sld [smem:$0x3FB5]  }
0x2e: {  	s3 =	simm.s32 @!p0 $0x1082;
	s9 =	sld [smem:$0x3FB6]  }
0x2f: {  	lr =	sadd.s32 s0, s3;
	s0 =	sld [smem:$0x3FAD]  }
0x30: {  	s3 =	sld [smem:$0x3FB0]  }
0x31: {  	[smem:$0x3FB9] =	sst s10  }
0x32: {  	s10 =	sld [smem:$0x3FB7];
	_ =	sdelay $0x3  }
0x33: {  	p0 =	seq.s32 s10, $0x1;
	s10 =	sld [smem:$0x3FB9];
	_ =	sdelay $0x3  }
0x34: {  	[smem:$0x3FB9] =	sst s10  }
0x35: {  	s10 =	sld [smem:$0x3FB8];
	_ =	sdelay $0x3  }
0x36: {  	p1 =	seq.s32 s10, $0x1;
	s10 =	sld [smem:$0x3FB9];
	_ =	sdelay $0x3  }
0x37: {  	[smem:$0x3FB9] =	sst s10  }
0x38: {  	s10 =	sld [smem:$0x3FBA]  }
0x39: {  	_ = 	snop;
	(pc) =	sbr.ind lr, $3  }
0x3a: {  	_ = 	snop  }
0x3b: {  	_ = 	snop  }
0x3c: {  	p2 =	seq.s32 s10, $0x1;
	s10 =	sld [smem:$0x3FB9]  }
0x3d: {  	_ =	shalt  }
0x3e: {  	_ =	shalt  }
0x3f: {  	_ =	shalt  }
0x40: {  	_ =	shalt  }
0x41: {  	_ =	shalt  }
0x42: {  	_ =	shalt  }
0x43: {  	_ =	shalt  }
0x44: {  	_ =	shalt  }
0x45: {  	_ =	shalt  }
0x46: {  	_ =	shalt  }
0x47: {  	_ =	shalt  }
0x48: {  	_ =	shalt  }
0x49: {  	_ =	shalt  }
0x4a: {  	_ =	shalt  }
0x4b: {  	_ =	shalt  }
0x4c: {  	_ =	shalt  }
0x4d: {  	_ =	shalt  }
0x4e: {  	_ =	shalt  }
0x4f: {  	_ =	shalt  }
0x50: {  	_ =	shalt  }
0x51: {  	_ =	shalt  }
0x52: {  	_ =	shalt  }
0x53: {  	_ =	shalt  }
0x54: {  	_ =	shalt  }
0x55: {  	_ =	shalt  }
0x56: {  	_ =	shalt  }
0x57: {  	_ =	shalt  }
0x58: {  	_ =	shalt  }
0x59: {  	_ =	shalt  }
0x5a: {  	_ =	shalt  }
0x5b: {  	_ =	shalt  }
0x5c: {  	_ =	shalt  }
0x5d: {  	_ =	shalt  }
0x5e: {  	_ =	shalt  }
0x5f: {  	_ =	shalt  }
0x60: {  	_ =	shalt  }
0x61: {  	_ =	shalt  }
0x62: {  	_ =	shalt  }
0x63: {  	_ =	shalt  }
0x64: {  	_ =	shalt  }
0x65: {  	_ =	shalt  }
0x66: {  	_ =	shalt  }
0x67: {  	_ =	shalt  }
0x68: {  	_ =	shalt  }
0x69: {  	_ =	shalt  }
0x6a: {  	_ =	shalt  }
0x6b: {  	_ =	shalt  }
0x6c: {  	_ =	shalt  }
0x6d: {  	_ =	shalt  }
0x6e: {  	_ =	shalt  }
0x6f: {  	_ =	shalt  }
0x70: {  	_ =	shalt  }
0x71: {  	_ =	shalt  }
0x72: {  	_ =	shalt  }
0x73: {  	_ =	shalt  }
0x74: {  	_ =	shalt  }
0x75: {  	_ =	shalt  }
0x76: {  	_ =	shalt  }
0x77: {  	_ =	shalt  }
0x78: {  	_ =	shalt  }
0x79: {  	_ =	shalt  }
0x7a: {  	_ =	shalt  }
0x7b: {  	_ =	shalt  }
0x7c: {  	_ =	shalt  }
0x7d: {  	_ =	shalt  }
0x7e: {  	_ =	shalt  }
0x7f: {  	_ =	shalt  }
0x80: {  	_ =	shalt  }
0x81: {  	_ =	shalt  }
0x82: {  	_ =	shalt  }
0x83: {  	_ =	shalt  }
0x84: {  	_ =	shalt  }
0x85: {  	_ =	shalt  }
0x86: {  	_ =	shalt  }
0x87: {  	_ =	shalt  }
.Lfunc_end0:
.L_simem_size_0:
called_computation_lowered:
.L_overlay_start_0:
0x88: {  	s2 =	sld [smem:$0x3FD9]  }
0x89: {  	s3 =	sld [smem:$0x3FFE];
	_ =	sdelay $0x1  }
0x8a: {  	s1 =	srdreg.scid  }
0x8b: {  	s0 =	sand.u32 $0x1, s1  }
0x8c: {  	s17 =	sshll.u32 s0, $0xA;
	s2 =	sadd.s32 s3, s2  }
0x8d: {  	s2 =	sadd.s32 s2, s17  }
0x8e: {  	[smem:$0x3FC5] =	sst s2  }
0x8f: {  	_ = 	snop  }
0x90: {  	s2 =	sld [smem:$0x3FC9]  }
0x91: {  	s18 =	sld [smem:$0x3FC8]  }
0x92: {  	s4 =	sld [smem:$0x3FC7];
	(tm) =	ssettm $0x1  }
0x93: {  	s5 =	sld [smem:$0x3FFB];
	_ =	sdelay $0x3  }
0x94: {  	_ =	strace s5  }
0x95: {  	s5 =	sld [smem:$0x3FFC];
	_ =	sdelay $0x3  }
0x96: {  	_ =	strace s5  }
0x97: {  	s5 =	sld [smem:$0x3FFD];
	_ =	sdelay $0x3  }
0x98: {  	_ =	strace s5  }
0x99: {  	_ =	strace $0x8FFFFFFF  }
0x9a: {  	s19 =	sld [smem:$0x3FDB];
	_ =	sdelay $0x1  }
0x9b: {  	s6 =	simm.s32 $_scs_section_size  }
0x9c: {  	s7 =	simm.s32 $_size__tile_overlayer_lowered;
	s8 =	simm.s32 $_tile_overlayer_lowered  }
0x9d: {  	s22 =	simm.s32 $0x1BFF;
	s21 =	sshll.u32 s8, $0x1;
	s5 =	sadd.s32 s6, s19  }
0x9e: {  	s9 =	simm.s32 $0x0;
	s20 =	sshll.u32 s7, $0x1;
	s7 =	sadd.s32 s21, s5  }
0x9f: {  	[timem:s9], [sflag:s22] =	dma.local [hbm:s7], s20  }
0xa0: {  	_ =	swait.ge [sflag:s22], s20  }
0xa1: {  	s6 =	ssub.s32 $0x0, s20;
	[sflag:s22] =	ssyncset.done $0x0  }
0xa2: {  	[sflag:s22] =	ssyncadd.s32 s6;
	_ =	sdelay $0x1  }
0xa3: {  	s23 =	simm.s32 $0x1B8B  }
0xa4: {  	_ =	swait.ge [sflag:s23], $0x1  }
0xa5: {  	[sflag:s23] =	ssyncset.done $0x0  }
0xa6: {  	s25 =	simm.s32 $0x1B8E;
	s24 =	sld [smem:$0x3FFE];
	[sflag:s23] =	ssyncadd.s32 $0xFFFFFFFF  }
0xa7: {  	s26 =	simm.s32 $execute0_lowered;
	[smem:$0x3FD2] =	sst s25  }
0xa8: {  	s7 =	sshll.u32 s26, $0x1;
	_ =	strace $0x80000046;
	[dreg:$0x1] =	wrdreg $0xFFFFFFFF  }
0xa9: {  	s28 =	simm.s32 $_size_execute0_lowered;
	s5 =	sadd.s32 s5, s7;
	[dreg:$0x0] =	wrdreg $0x0  }
0xaa: {  	s7 =	sshll.u32 s28, $0x1;
	[dreg:$0x2] =	wrdreg s5  }
0xab: {  	[dreg:$0x3] =	wrdreg s7  }
0xac: {  	[dreg:$0x4] =	wrdreg $0xC0  }
0xad: {  	_ =	task [dreg:s9], $0x5FFFF  }
0xae: {  	[dreg:$0x1] =	wrdreg $0xFFFFFFFF  }
0xaf: {  	[dreg:$0x0] =	wrdreg $0x60  }
0xb0: {  	[dreg:$0x2] =	wrdreg s18  }
0xb1: {  	[dreg:$0x3] =	wrdreg s2  }
0xb2: {  	[dreg:$0x4] =	wrdreg s4  }
0xb3: {  	[dreg:$0x5] =	wrdreg s24  }
0xb4: {  	[dreg:$0x6] =	wrdreg $0x9  }
0xb5: {  	_ =	task.clear_ibuf [dreg:s9], $0x7FFFF;
	_ =	strace $0x90000046  }
0xb6: {  	s29 =	simm.s32 $0x9;
	_ =	strace $0x80000048  }
0xb7: {  	_ =	swait.ge [sflag:s29], $0x1  }
0xb8: {  	[sflag:s29] =	ssyncadd.s32 $0xFFFFFFFF  }
0xb9: {  	_ =	strace $0x90000048  }
0xba: {  	_ =	sfence  }
0xbb: {  	s30 =	sld [smem:$0x0];
	_ =	sdelay $0x2  }
0xbc: {  	s31 =	sshll.u32 s1, $0xD;
	s1 =	sshrl.u32 s1, $0x2  }
0xbd: {  	s3 =	sand.u32 $0x4000, s31;
	s1 =	sadd.s32 s1, s30  }
0xbe: {  	s0 =	sor.u32 s3, s0;
	s1 =	sshll.u32 s1, $0x11  }
0xbf: {  	s0 =	sor.u32 s1, s0  }
0xc0: {  	s0 =	sadd.s32 $0x8F2B, s0  }
0xc1: {  	[sflag:s0] =	ssyncadd.remote.s32 $0x1  }
0xc2: {  	_ =	sfence.sel $0xFFFF  }
0xc3: {  	[dreg:$0x0] =	wrdreg $0xFFFFFFFF;
	(pc) =	sbr.abs _section_cstart, $3  }
0xc4: {  	[dreg:$0x1] =	wrdreg $0xFFFFFFFF  }
0xc5: {  	_ =	task.clear_ibuf [dreg:s9], $0x2FFFF;
	_ =	strace $0x9FFFFFFF  }
0xc6: {  	(tm) =	ssettm $0x7FFFFFFF  }
0xc7: {  	_ =	shalt  }
tec
execute0_lowered:
.L_overlay_start_1:
0x0: {  	(tag) =	ssettag $0x1  }
0x1: {  	s1 =	rddreg [dreg:$0x0]  }
0x2: {  	s2 =	rddreg [dreg:$0x1]  }
0x3: {  	s3 =	rddreg [dreg:$0x2]  }
0x4: {  	s10 =	rddreg [dreg:$0x3]  }
0x5: {  	s0 =	rddreg [dreg:$0x4];
	s6 =	srdreg.scid;
	s5 =	simm.s32 $0x0  }
0x6: {  	s4 =	stileid.u32;
	s13 =	simm.s32 $0x400;
	s14 =	simm.s32 $0x1C700  }
0x7: {  	s15 =	simm.s32 $0x2;
	s16 =	simm.s32 $0x1;
	s17 =	simm.s32 $0x3  }
0x8: {  	s18 =	simm.s32 $0x1E700;
	s19 =	simm.s32 $0x0;
	s6 =	sand.u32 $0x1, s6  }
0x9: {  	[smem:$0x7FF] =	sst s5;
	s8 =	sshll.u32 s4, $0x1;
	s31 =	sshrl.u32 s4, $0x1  }
.Ltmp0:
0xa: {  	s7 =	ssub.s32 $0x2, s6;
	s8 =	sor.u32 s6, s8;
	(pc) =	sbr.rel .LBB2_1-.Ltmp0, $4  }
0xb: {  	_ =	strace $0x80000047;
	s9 =	sshrl.u32 s7, $0x1;
	s6 =	sshll.u32 s8, $0x8  }
0xc: {  	s12 =	sshll.u32 s8, $0x1;
	s8 =	sshll.u32 s31, $0x11;
	s11 =	ssub.s32 s7, s9  }
0xd: {  	s6 =	sand.u32 $0x300, s6;
	s7 =	smul.u32 $0xC3800, s31;
	s9 =	sadd.s32 $0x2000, s2  }
0xe: {  	s10 =	sadd.s32 s10, s12;
	s12 =	simm.s32 $0x80;
	s11 =	smax.u32 s11, $0x1  }
.LBB2_8:
0xf: {  	v6 =	vadd.f32 v6, v7;
	_ =	sdelay $0x1  }
0x10: {  	v5 =	vadd.f32 v5, v6;
	_ =	sdelay $0x1  }
0x11: {  	v4 =	vadd.f32 v4, v5;
	_ =	sdelay $0x1  }
0x12: {  	v3 =	vadd.f32 v3, v4;
	_ =	sdelay $0x1  }
0x13: {  	v2 =	vadd.f32 v2, v3;
	_ =	sdelay $0x1  }
0x14: {  	v1 =	vadd.f32 v1, v2;
	_ =	sdelay $0x1  }
0x15: {  	s19 =	sadd.s32 $0x1, s19;
	v0 =	vadd.f32 v0, v1  }
0x16: {  	p0 =	sne.s32 s19, s11  }
.Ltmp1:
0x17: {  	[tilespmem:$0x1E700] =	vst v0;
	(pc) =	sbr.rel @!p0 .LBB2_9-.Ltmp1, $4  }
0x18: {  	[hbm4b:s10+s5] =	stream.linear.scatter [tilespmem:s18], [sflag:$0x3], $0x10, $0x38;
	[tilespmem:$0x1E780] =	vst v63  }
0x19: {  	_ =	swait.ge [sflag:s17], $0x10  }
0x1a: {  	[sflag:s17] =	ssyncset.done $0x0  }
0x1b: {  	[sflag:s17] =	ssyncadd.s32 $0xFFFFFFF0  }
.LBB2_1:
.Ltmp2:
0x1c: {  	(pc) =	sbr.rel .LBB2_2-.Ltmp2, $4  }
0x1d: {  	_ = 	snop  }
0x1e: {  	v0 =	vimm.f32 $0.0e+00;
	v1 =	vimm.f32 $0.0e+00  }
0x1f: {  	v2 =	vimm.f32 $0.0e+00;
	v3 =	vimm.f32 $0.0e+00;
	v4 =	vimm.f32 $0.0e+00  }
0x20: {  	p1 =	por $0x1, $0x1;
	v5 =	vimm.f32 $0.0e+00;
	v6 =	vimm.f32 $0.0e+00;
	v7 =	vimm.f32 $0.0e+00;
	s20 =	simm.s32 $0x0  }
.LBB2_7:
.Ltmp3:
0x21: {  	(pc) =	sbr.rel @!p0 .LBB2_8-.Ltmp3, $2  }
0x22: {  	_ =	sdelay $0x2  }
0x23: {  	s20 =	simm.s32 $0x80;
	p1 =	por $0x0, $0x0  }
.LBB2_2:
0x24: {  	s20 =	sor.u32 s6, s20  }
0x25: {  	s21 =	sor.u32 s7, s20  }
0x26: {  	s21 =	sshrl.u32 s21, $0x3  }
0x27: {  	s21 =	sadd.s32 s1, s21  }
0x28: {  	[tilespmem:s5], [sflag:$0x1] =	stream.strided.gather [hbm4b:s21+s12], $0x18700, s13, s12, $0x38;
	[tilespmem:$0x1E780] =	vst v63  }
0x29: {  	s22 =	simm.s32 @p1 $0x18700;
	s21 =	simm.s32 @p1 $0x0  }
0x2a: {  	[tilespmem:s22], [sflag:$0x3] =	stream.linear.gather @p1 [hbm4b:s3+s21], $0x4000, $0x38;
	[tilespmem:$0x1E780] =	vst v63  }
0x2b: {  	s21 =	simm.s32 @p1 $0x3  }
0x2c: {  	s20 =	sor.u32 s8, s20;
	_ =	swait.ge @p1 [sflag:s21], $0x4000  }
0x2d: {  	s20 =	sshrl.u32 s20, $0x3;
	[sflag:s21] =	ssyncset.done @p1 $0x0  }
0x2e: {  	s31 =	sadd.s32 s2, s20;
	[sflag:s21] =	ssyncadd.s32 @p1 $0xFFFFC000  }
0x2f: {  	[tilespmem:s14], [sflag:$0x2] =	stream.strided.gather [hbm4b:s31+s12], $0x2000, s13, s12, $0x38;
	[tilespmem:$0x1E780] =	vst v63  }
0x30: {  	_ =	swait.ge [sflag:s15], $0x2000  }
0x31: {  	[sflag:s15] =	ssyncset.done $0x0  }
0x32: {  	[sflag:s15] =	ssyncadd.s32 $0xFFFFE000  }
0x33: {  	_ =	swait.ge [sflag:s16], $0x18700  }
0x34: {  	p0 =	por p1, p1;
	s20 =	sadd.s32 s20, s9;
	[sflag:s16] =	ssyncset.done $0x0  }
0x35: {  	s21 =	simm.s32 $0x0;
	p1 =	por $0x1, $0x1;
	[sflag:s16] =	ssyncadd.s32 $0xFFFE7900  }
.LBB2_3:
0x36: {  	s23 =	simm.s32 $0x1C780  }
0x37: {  	v12 =	vld [tilespmem:s23+$0x0]  }
0x38: {  	v13 =	vld [tilespmem:s23+$0x10]  }
0x39: {  	v14 =	vld [tilespmem:s23+$0x20]  }
0x3a: {  	v15 =	vld [tilespmem:s23+$0x30]  }
0x3b: {  	v18 =	vld [tilespmem:s23+$0x40]  }
0x3c: {  	v22 =	vld [tilespmem:s23+$0x50]  }
0x3d: {  	v24 =	vld [tilespmem:s23+$0x60]  }
0x3e: {  	v25 =	vld [tilespmem:s23+$0x70]  }
0x3f: {  	v27 =	vld [tilespmem:s23+$0xFFFFFF80]  }
0x40: {  	v28 =	vld [tilespmem:s23+$0xFFFFFF90]  }
0x41: {  	v29 =	vld [tilespmem:s23+$0xFFFFFFA0]  }
0x42: {  	v11 =	vld [tilespmem:s23+$0xFFFFFFB0]  }
0x43: {  	v10 =	vld [tilespmem:s23+$0xFFFFFFC0]  }
0x44: {  	s21 =	sshra.s32 s21, $0x2;
	v9 =	vld [tilespmem:s23+$0xFFFFFFD0]  }
0x45: {  	s21 =	sadd.s32 $0x18780, s21;
	v8 =	vld [tilespmem:s23+$0xFFFFFFE0]  }
0x46: {  	v16 =	vld [tilespmem:s21+$0x0]  }
0x47: {  	v17 =	vld [tilespmem:s21+$0x10]  }
0x48: {  	v19 =	vld [tilespmem:s21+$0x20]  }
0x49: {  	v20 =	vld [tilespmem:s21+$0x30]  }
0x4a: {  	v21 =	vld [tilespmem:s21+$0x40]  }
0x4b: {  	v23 =	vld [tilespmem:s21+$0x50]  }
0x4c: {  	v26 =	vld [tilespmem:s21+$0x60]  }
0x4d: {  	v30 =	vld [tilespmem:s21+$0x70]  }
0x4e: {  	v31 =	vld [tilespmem:s21+$0xFFFFFF80]  }
0x4f: {  	v32 =	vld [tilespmem:s21+$0xFFFFFF90]  }
0x50: {  	v33 =	vld [tilespmem:s21+$0xFFFFFFA0]  }
0x51: {  	v34 =	vld [tilespmem:s21+$0xFFFFFFB0]  }
0x52: {  	v35 =	vld [tilespmem:s21+$0xFFFFFFC0]  }
0x53: {  	v36 =	vld [tilespmem:s21+$0xFFFFFFD0]  }
0x54: {  	v37 =	vld [tilespmem:s21+$0xFFFFFFE0]  }
0x55: {  	v38 =	vld [tilespmem:s21+$0xFFFFFFF0]  }
0x56: {  	v16 =	vld.idx.msk [tilespmem:v16+s5+$0x0], $0xffff  }
0x57: {  	v39 =	vld.idx.msk [tilespmem:v17+s5+$0x0], $0xffff  }
0x58: {  	v19 =	vld.idx.msk [tilespmem:v19+s5+$0x0], $0xffff  }
0x59: {  	v40 =	vld.idx.msk [tilespmem:v20+s5+$0x0], $0xffff  }
0x5a: {  	v41 =	vld.idx.msk [tilespmem:v21+s5+$0x0], $0xffff  }
0x5b: {  	v42 =	vld.idx.msk [tilespmem:v23+s5+$0x0], $0xffff  }
0x5c: {  	v43 =	vld.idx.msk [tilespmem:v26+s5+$0x0], $0xffff  }
0x5d: {  	v30 =	vld.idx.msk [tilespmem:v30+s5+$0x0], $0xffff  }
0x5e: {  	v31 =	vld.idx.msk [tilespmem:v31+s5+$0x0], $0xffff  }
0x5f: {  	v32 =	vld.idx.msk [tilespmem:v32+s5+$0x0], $0xffff  }
0x60: {  	v33 =	vld.idx.msk [tilespmem:v33+s5+$0x0], $0xffff  }
0x61: {  	v20 =	vld.idx.msk [tilespmem:v34+s5+$0x0], $0xffff;
	v21 =	vsub.f32 v12, v16  }
0x62: {  	v17 =	vld.idx.msk [tilespmem:v35+s5+$0x0], $0xffff;
	v26 =	vsub.f32 v13, v39;
	v19 =	vsub.f32 v14, v19  }
0x63: {  	v16 =	vld.idx.msk [tilespmem:v36+s5+$0x0], $0xffff;
	v23 =	vsub.f32 v15, v40;
	v18 =	vsub.f32 v18, v41  }
0x64: {  	v14 =	vld.idx.msk [tilespmem:v37+s5+$0x0], $0xffff;
	v22 =	vsub.f32 v22, v42;
	v13 =	vsub.f32 v24, v43  }
0x65: {  	v24 =	vsub.f32 v27, v31;
	v15 =	vld.idx.msk [tilespmem:v38+s5+$0x0], $0xffff;
	v12 =	vsub.f32 v25, v30  }
0x66: {  	s22 =	simm.s32 $0x0;
	v28 =	vsub.f32 v28, v32;
	v27 =	vsub.f32 v29, v33;
	v25 =	vld [tilespmem:s23+$0xFFFFFFF0];
	s23 =	simm.s32 $0x1C880  }
.LBB2_4:
0x67: {  	v29 =	vld [tilespmem:s23+$0x0];
	v11 =	vsub.f32 v11, v20;
	v20 =	vmul.f32 v21, v21;
	v21 =	vmul.f32 v26, v26  }
0x68: {  	v10 =	vsub.f32 v10, v17;
	v17 =	vmul.f32 v19, v19;
	v19 =	vmul.f32 v23, v23;
	v26 =	vld [tilespmem:s23+$0x10]  }
0x69: {  	v9 =	vsub.f32 v9, v16;
	v16 =	vmul.f32 v18, v18;
	v18 =	vmul.f32 v22, v22;
	v23 =	vld [tilespmem:s23+$0x20]  }
0x6a: {  	v24 =	vmul.f32 v24, v24;
	v28 =	vmul.f32 v28, v28;
	v8 =	vsub.f32 v8, v14;
	v22 =	vld [tilespmem:s23+$0x30]  }
0x6b: {  	v27 =	vmul.f32 v27, v27;
	v11 =	vmul.f32 v11, v11;
	v14 =	vld [tilespmem:s23+$0x40];
	v15 =	vsub.f32 v25, v15  }
0x6c: {  	v7 =	vadd.f32 v24, v7;
	v10 =	vmul.f32 v10, v10;
	v6 =	vadd.f32 v28, v6;
	v25 =	vld [tilespmem:s23+$0x50]  }
0x6d: {  	v5 =	vadd.f32 v27, v5;
	v9 =	vmul.f32 v9, v9;
	v4 =	vadd.f32 v11, v4;
	v24 =	vld [tilespmem:s23+$0x60]  }
0x6e: {  	v8 =	vmul.f32 v8, v8;
	v7 =	vadd.f32 v20, v7;
	v6 =	vadd.f32 v21, v6;
	v27 =	vld [tilespmem:s23+$0x70]  }
0x6f: {  	v5 =	vadd.f32 v17, v5;
	v11 =	vmul.f32 v15, v15;
	v4 =	vadd.f32 v19, v4;
	v28 =	vld [tilespmem:s23+$0xFFFFFF80]  }
0x70: {  	v3 =	vadd.f32 v10, v3;
	v2 =	vadd.f32 v9, v2;
	v9 =	vmul.f32 v13, v13;
	v30 =	vld [tilespmem:s23+$0xFFFFFF90]  }
0x71: {  	v1 =	vadd.f32 v8, v1;
	v8 =	vmul.f32 v12, v12;
	v0 =	vadd.f32 v11, v0;
	v31 =	vld [tilespmem:s23+$0xFFFFFFA0]  }
0x72: {  	v3 =	vadd.f32 v16, v3;
	v2 =	vadd.f32 v18, v2;
	v11 =	vld [tilespmem:s23+$0xFFFFFFB0]  }
0x73: {  	v1 =	vadd.f32 v9, v1;
	v0 =	vadd.f32 v8, v0;
	v10 =	vld [tilespmem:s23+$0xFFFFFFC0]  }
0x74: {  	v9 =	vld [tilespmem:s23+$0xFFFFFFD0]  }
0x75: {  	s21 =	sadd.s32 $0x100, s21;
	v8 =	vld [tilespmem:s23+$0xFFFFFFE0]  }
0x76: {  	v12 =	vld [tilespmem:s21+$0x0]  }
0x77: {  	v13 =	vld [tilespmem:s21+$0x10]  }
0x78: {  	v15 =	vld [tilespmem:s21+$0x20]  }
0x79: {  	v16 =	vld [tilespmem:s21+$0x30]  }
0x7a: {  	v17 =	vld [tilespmem:s21+$0x40]  }
0x7b: {  	v18 =	vld [tilespmem:s21+$0x50]  }
0x7c: {  	v19 =	vld [tilespmem:s21+$0x60]  }
0x7d: {  	v20 =	vld [tilespmem:s21+$0x70]  }
0x7e: {  	v21 =	vld [tilespmem:s21+$0xFFFFFF80]  }
0x7f: {  	v32 =	vld [tilespmem:s21+$0xFFFFFF90]  }
0x80: {  	v33 =	vld [tilespmem:s21+$0xFFFFFFA0]  }
0x81: {  	v34 =	vld [tilespmem:s21+$0xFFFFFFB0]  }
0x82: {  	v35 =	vld [tilespmem:s21+$0xFFFFFFC0]  }
0x83: {  	v36 =	vld [tilespmem:s21+$0xFFFFFFD0]  }
0x84: {  	v37 =	vld [tilespmem:s21+$0xFFFFFFE0]  }
0x85: {  	v38 =	vld [tilespmem:s21+$0xFFFFFFF0]  }
0x86: {  	v12 =	vld.idx.msk [tilespmem:v12+s5+$0x0], $0xffff  }
0x87: {  	v13 =	vld.idx.msk [tilespmem:v13+s5+$0x0], $0xffff  }
0x88: {  	v15 =	vld.idx.msk [tilespmem:v15+s5+$0x0], $0xffff  }
0x89: {  	v39 =	vld.idx.msk [tilespmem:v16+s5+$0x0], $0xffff  }
0x8a: {  	v40 =	vld.idx.msk [tilespmem:v17+s5+$0x0], $0xffff  }
0x8b: {  	v41 =	vld.idx.msk [tilespmem:v18+s5+$0x0], $0xffff  }
0x8c: {  	v42 =	vld.idx.msk [tilespmem:v19+s5+$0x0], $0xffff  }
0x8d: {  	v43 =	vld.idx.msk [tilespmem:v20+s5+$0x0], $0xffff  }
0x8e: {  	v44 =	vld.idx.msk [tilespmem:v21+s5+$0x0], $0xffff  }
0x8f: {  	s22 =	sadd.s32 $0x2, s22;
	v32 =	vld.idx.msk [tilespmem:v32+s5+$0x0], $0xffff  }
0x90: {  	p2 =	slt.u32 s22, $0x3E;
	v33 =	vld.idx.msk [tilespmem:v33+s5+$0x0], $0xffff  }
0x91: {  	v21 =	vsub.f32 v29, v12;
	v20 =	vld.idx.msk [tilespmem:v34+s5+$0x0], $0xffff  }
.Ltmp4:
0x92: {  	v26 =	vsub.f32 v26, v13;
	v19 =	vsub.f32 v23, v15;
	v17 =	vld.idx.msk [tilespmem:v35+s5+$0x0], $0xffff;
	(pc) =	sbr.rel @p2 .LBB2_4-.Ltmp4, $4  }
0x93: {  	v23 =	vsub.f32 v22, v39;
	v18 =	vsub.f32 v14, v40;
	v16 =	vld.idx.msk [tilespmem:v36+s5+$0x0], $0xffff  }
0x94: {  	v22 =	vsub.f32 v25, v41;
	v13 =	vsub.f32 v24, v42;
	v14 =	vld.idx.msk [tilespmem:v37+s5+$0x0], $0xffff  }
0x95: {  	v12 =	vsub.f32 v27, v43;
	v24 =	vsub.f32 v28, v44;
	v15 =	vld.idx.msk [tilespmem:v38+s5+$0x0], $0xffff  }
0x96: {  	v28 =	vsub.f32 v30, v32;
	v27 =	vsub.f32 v31, v33;
	v25 =	vld [tilespmem:s23+$0xFFFFFFF0];
	s23 =	sadd.s32 $0x100, s23  }
0x97: {  	v53 =	vmul.f32 v21, v21  }
0x98: {  	v54 =	vmul.f32 v26, v26;
	v55 =	vmul.f32 v19, v19  }
0x99: {  	v11 =	vsub.f32 v11, v20;
	v56 =	vmul.f32 v23, v23;
	v57 =	vmul.f32 v18, v18  }
0x9a: {  	v10 =	vsub.f32 v10, v17;
	v58 =	vmul.f32 v22, v22;
	v59 =	vmul.f32 v24, v24  }
0x9b: {  	v9 =	vsub.f32 v9, v16;
	v60 =	vmul.f32 v28, v28;
	v61 =	vmul.f32 v27, v27  }
0x9c: {  	v8 =	vsub.f32 v8, v14;
	v11 =	vmul.f32 v11, v11;
	v7 =	vadd.f32 v59, v7  }
0x9d: {  	v10 =	vmul.f32 v10, v10;
	v6 =	vadd.f32 v60, v6;
	v5 =	vadd.f32 v61, v5  }
0x9e: {  	v9 =	vmul.f32 v9, v9;
	v15 =	vsub.f32 v25, v15;
	v4 =	vadd.f32 v11, v4  }
0x9f: {  	v8 =	vmul.f32 v8, v8;
	v7 =	vadd.f32 v53, v7;
	v3 =	vadd.f32 v10, v3  }
.Ltmp5:
0xa0: {  	v6 =	vadd.f32 v54, v6;
	v5 =	vadd.f32 v55, v5;
	v62 =	vmul.f32 v15, v15;
	(pc) =	sbr.rel @!p1 .LBB2_7-.Ltmp5, $4  }
0xa1: {  	v63 =	vmul.f32 v13, v13;
	v2 =	vadd.f32 v9, v2;
	v4 =	vadd.f32 v56, v4  }
0xa2: {  	v1 =	vadd.f32 v8, v1;
	v8 =	vmul.f32 v12, v12;
	v0 =	vadd.f32 v62, v0  }
0xa3: {  	v3 =	vadd.f32 v57, v3;
	v2 =	vadd.f32 v58, v2  }
0xa4: {  	v1 =	vadd.f32 v63, v1;
	v0 =	vadd.f32 v8, v0  }
.Ltmp6:
0xa5: {  	(pc) =	sbr.rel .LBB2_3-.Ltmp6, $4  }
0xa6: {  	[tilespmem:s14], [sflag:$0x3] =	stream.strided.gather [hbm4b:s20+s12], $0x2000, s13, s12, $0x38;
	[tilespmem:$0x1E780] =	vst v63  }
0xa7: {  	_ =	swait.ge [sflag:s17], $0x2000  }
0xa8: {  	[sflag:s17] =	ssyncset.done $0x0  }
0xa9: {  	s21 =	simm.s32 $0x8000;
	p1 =	por $0x0, $0x0;
	[sflag:s17] =	ssyncadd.s32 $0xFFFFE000  }
.LBB2_9:
0xaa: {  	_ =	sfence.sel $0x180000  }
0xab: {  	[bflag:$0x0] =	sbarrier.arrive $0xFFFF  }
0xac: {  	p0 =	sne.s32 s4, $0x0;
	_ =	strace $0x90000047  }
0xad: {  	s0 =	sadd.s32 @!p0 $0x100000, s0;
	[bflag:$0x2] =	sbarrier.arrive $0xFFFF  }
0xae: {  	[sflag:s0] =	ssyncadd.tile.s32 @!p0 $0x1;
	_ =	shalt  }
.Lfunc_end2:
_tile_overlayer_lowered:
.L_overlay_start_2:
0xaf: {  	(tag) =	ssettag $0x2  }
0xb0: {  	s0 =	rddreg [dreg:$0x0];
	s2 =	stileid.u32  }
0xb1: {  	s1 =	rddreg [dreg:$0x1];
	p0 =	sne.s32 s2, $0x0  }
0xb2: {  	s3 =	rddreg [dreg:$0x2];
	[bflag:$0x3] =	sbarrier.arrive $0xFFFF;
	s2 =	simm.s32 @!p0 $0x1C03  }
0xb3: {  	[timem:s3], [sflag:s2] =	dma.local @!p0 [hbm:s0], s1  }
0xb4: {  	s0 =	simm.s32 @!p0 $0x3  }
0xb5: {  	_ =	swait.ge @!p0 [sflag:s0], s1  }
0xb6: {  	s1 =	ssub.s32 @!p0 $0x0, s1;
	[sflag:s0] =	ssyncset.done @!p0 $0x0  }
0xb7: {  	[sflag:s0] =	ssyncadd.s32 @!p0 s1  }
0xb8: {  	[bflag:$0x3] =	sbarrier.arrive $0xFFFF  }
0xb9: {  	_ =	shalt  }

</sc_bundles>
